<compile_context>
chip_gen: v7x
topology: tpu7x:2x2x1
jax: 0.10.2.dev20260603
libtpu: 0.0.44.dev20260713+nightly
codegen_flags: <defaults>
</compile_context>

<pallas_src>
import jax
import jax.numpy as jnp
from jax import lax
from jax.experimental import pallas as pl
from jax.experimental.pallas import tpu as pltpu
from jax.experimental.pallas import tpu_sc as plsc

B = 16384
NUM_NUMERIC = 16
N_CAT = 26
VOCAB = 100000
EMB = 16
EMB_TOTAL = N_CAT * EMB
N_LINES = EMB_TOTAL

NC = 2
NS = 16
NW = NC * NS
LINES_PER_W = N_LINES // NW


def _gather_body(tab_ref, idx_ref, out_ref, line_v, buf_v, sem_l, sem_i,
                 sem_o):
    wid = lax.axis_index("s") * NC + lax.axis_index("c")

    def do_line(i, carry):
        r = wid * LINES_PER_W + i
        c = r // EMB
        e = lax.rem(r, EMB)
        pltpu.async_copy(tab_ref.at[c, e], line_v, sem_l)

        @pl.when(i > 0)
        def _():
            pltpu.make_async_copy(buf_v, out_ref.at[r], sem_o).wait()

        pltpu.async_copy(idx_ref.at[c], buf_v, sem_i).wait()
        pltpu.make_async_copy(tab_ref.at[c, e], line_v, sem_l).wait()

        @plsc.parallel_loop(0, B // 16, unroll=24)
        def do_vec(j):
            iv = plsc.bitcast(buf_v[pl.ds(j * 16, 16)], jnp.int32)
            buf_v[pl.ds(j * 16, 16)] = plsc.load_gather(line_v, [iv])
        pltpu.async_copy(buf_v, out_ref.at[r], sem_o)
        return carry

    lax.fori_loop(0, LINES_PER_W, do_line, 0)
    pltpu.make_async_copy(buf_v, out_ref.at[0], sem_o).wait()


_sc_gather = pl.kernel(
    _gather_body,
    mesh=plsc.VectorSubcoreMesh(core_axis_name="c", subcore_axis_name="s"),
    compiler_params=pltpu.CompilerParams(use_tc_tiling_on_sc=True,
                                         needs_layout_passes=False),
    out_type=jax.ShapeDtypeStruct((N_LINES, B), jnp.float32),
    scratch_types=[
        pltpu.VMEM((VOCAB,), jnp.float32),
        pltpu.VMEM((B,), jnp.float32),
        pltpu.SemaphoreType.DMA,
        pltpu.SemaphoreType.DMA,
        pltpu.SemaphoreType.DMA,
    ],
)


BLKB = 4096


def _mlp_body(xn_ref, xe_ref, w1n_ref, w1e_ref, b1_ref, g1_ref, be1_ref,
              w2_ref, b2_ref, g2_ref, be2_ref, w3_ref, b3_ref, out_ref):
    f32 = jnp.float32
    h = jnp.dot(w1n_ref[...], xn_ref[...], preferred_element_type=f32)
    h += jnp.dot(w1e_ref[...], xe_ref[...], preferred_element_type=f32)
    h = jnp.maximum(h + b1_ref[...], 0.0)
    mu = jnp.mean(h, axis=0, keepdims=True)
    d = h - mu
    var = jnp.mean(d * d, axis=0, keepdims=True)
    h = d * lax.rsqrt(var + 1e-5) * g1_ref[...] + be1_ref[...]
    h = jnp.maximum(jnp.dot(w2_ref[...], h, preferred_element_type=f32)
                    + b2_ref[...], 0.0)
    mu = jnp.mean(h, axis=0, keepdims=True)
    d = h - mu
    var = jnp.mean(d * d, axis=0, keepdims=True)
    h = d * lax.rsqrt(var + 1e-5) * g2_ref[...] + be2_ref[...]
    out_ref[...] = jnp.sum(h * w3_ref[...], axis=0) + b3_ref[0, 0]


def _mlp(xn_t, xe_t, W1n_t, W1e_t, b1, g1, be1, W2t, b2, g2, be2, W3c, b3):
    full = lambda r, c: pl.BlockSpec((r, c), lambda i: (0, 0))
    return pl.pallas_call(
        _mlp_body,
        grid=(B // BLKB,),
        in_specs=[
            pl.BlockSpec((NUM_NUMERIC, BLKB), lambda i: (0, i)),
            pl.BlockSpec((EMB_TOTAL, BLKB), lambda i: (0, i)),
            full(64, NUM_NUMERIC), full(64, EMB_TOTAL),
            full(64, 1), full(64, 1), full(64, 1),
            full(32, 64), full(32, 1), full(32, 1), full(32, 1),
            full(32, 1), full(1, 1),
        ],
        out_specs=pl.BlockSpec((BLKB,), lambda i: (i,)),
        out_shape=jax.ShapeDtypeStruct((B,), jnp.float32),
    )(xn_t, xe_t, W1n_t, W1e_t, b1, g1, be1, W2t, b2, g2, be2, W3c, b3)


def kernel(x_num, x_cat, tables, W1, b1, g1, be1, W2, b2, g2, be2, W3, b3):
    tab_t = tables.transpose(0, 2, 1)
    idx_t = lax.bitcast_convert_type(
        x_cat.T.astype(jnp.int32), jnp.float32)
    embs_t = _sc_gather(tab_t, idx_t)
    col = lambda v: v.reshape(-1, 1)
    return _mlp(x_num.T, embs_t,
                W1[:NUM_NUMERIC].T, W1[NUM_NUMERIC:].T,
                col(b1), col(g1), col(be1),
                W2.T, col(b2), col(g2), col(be2),
                W3, col(b3))

# --- scband reference (transcript-rebuilt; emitter-appended) ---
"""Pipeline reference for scband-horse-mlp-52527450030714 (READ-ONLY COPY).

The authoritative reference and input builder live on the scoring server;
editing this copy changes nothing except your own understanding.
"""

import jax, jax.numpy as jnp
import numpy as np

B = 16384
NUM_NUMERIC = 16
N_CAT = 26
VOCAB = 100000
EMB = 16
EMB_TOTAL = N_CAT * EMB  # 416
IN_DIM = NUM_NUMERIC + EMB_TOTAL  # 432


def setup_inputs(seed: int = 0) -> dict:
    key = jax.random.key(seed)
    ks = jax.random.split(key, 16)
    x_num = jax.random.normal(ks[0], (B, NUM_NUMERIC), dtype=jnp.float32)
    x_cat = jax.random.randint(ks[1], (B, N_CAT), 0, VOCAB, dtype=jnp.int64 if jax.config.jax_enable_x64 else jnp.int32)
    # stacked embedding tables (all columns share cardinality/dim)
    tables = jax.random.normal(ks[2], (N_CAT, VOCAB, EMB), dtype=jnp.float32) * 0.05
    W1 = jax.random.normal(ks[3], (IN_DIM, 64), dtype=jnp.float32) * (1.0 / np.sqrt(IN_DIM))
    b1 = jnp.zeros((64,), dtype=jnp.float32)
    g1 = jnp.ones((64,), dtype=jnp.float32)
    be1 = jnp.zeros((64,), dtype=jnp.float32)
    W2 = jax.random.normal(ks[4], (64, 32), dtype=jnp.float32) * (1.0 / np.sqrt(64))
    b2 = jnp.zeros((32,), dtype=jnp.float32)
    g2 = jnp.ones((32,), dtype=jnp.float32)
    be2 = jnp.zeros((32,), dtype=jnp.float32)
    W3 = jax.random.normal(ks[5], (32, 1), dtype=jnp.float32) * (1.0 / np.sqrt(32))
    b3 = jnp.zeros((1,), dtype=jnp.float32)
    return {"x_num": x_num, "x_cat": x_cat, "tables": tables,
            "W1": W1, "b1": b1, "g1": g1, "be1": be1,
            "W2": W2, "b2": b2, "g2": g2, "be2": be2,
            "W3": W3, "b3": b3}


def _layernorm(x, gamma, beta, eps=1e-5):
    mu = jnp.mean(x, axis=-1, keepdims=True)
    var = jnp.mean((x - mu) ** 2, axis=-1, keepdims=True)
    return (x - mu) / jnp.sqrt(var + eps) * gamma + beta


def reference(x_num, x_cat, tables, W1, b1, g1, be1, W2, b2, g2, be2, W3, b3):
    # per-column embedding lookup: tables[i][x_cat[:, i]] for each column i
    col_ids = jnp.arange(N_CAT)[None, :]            # [1, 26]
    embs = tables[col_ids, x_cat]                    # [B, 26, EMB] gather
    embs_flat = embs.reshape(x_cat.shape[0], -1)     # [B, 416], column-major contiguous like torch.cat
    x = jnp.concatenate([x_num, embs_flat], axis=1)  # [B, 432]
    h = jnp.maximum(x @ W1 + b1, 0.0)
    h = _layernorm(h, g1, be1)
    # dropout is identity in eval mode
    h = jnp.maximum(h @ W2 + b2, 0.0)
    h = _layernorm(h, g2, be2)
    out = h @ W3 + b3                                # [B, 1]
    return out.squeeze(-1)                           # [B]

if __name__ == "__main__":
    import jax
    _d = setup_inputs()
    print(jax.jit(kernel)(*tuple(_d.values())))

</pallas_src>

<mosaic_0001>
#map = affine_map<(d0, d1) -> (0, 0, 0)>
#map1 = affine_map<(d0, d1) -> (0, 0)>
module attributes {stable_mosaic.version = 14 : i64} {
  func.func @_gather_body(%arg0: i32, %arg1: i32, %arg2: memref<26x16x100000xf32, #tpu.memory_space<hbm>>, %arg3: memref<26x16384xf32, #tpu.memory_space<hbm>>, %arg4: memref<416x16384xf32, #tpu.memory_space<hbm>>, %arg5: memref<100000xf32, #tpu.memory_space<vmem>>, %arg6: memref<16384xf32, #tpu.memory_space<vmem>>, %arg7: memref<!tpu.dma_semaphore, #tpu.memory_space<semaphore_mem>>, %arg8: memref<!tpu.dma_semaphore, #tpu.memory_space<semaphore_mem>>, %arg9: memref<!tpu.dma_semaphore, #tpu.memory_space<semaphore_mem>>) attributes {dimension_semantics = [#tpu.dimension_semantics<core_parallel>, #tpu.dimension_semantics<subcore_parallel>], iteration_bounds = array<i64: 2, 16>, scalar_prefetch = 0 : i64, scratch_operands = 5 : i64, tpu.core_type = #tpu.core_type<sc_vector_subcore>, window_params = [{transform_indices = #map}, {transform_indices = #map1}, {transform_indices = #map1}]} {
    %mul3A = arith.constant 2 : i32
    %mul3A_0 = arith.muli %arg1, %mul3A : i32
    %add3A = arith.addi %mul3A_0, %arg0 : i32
    %scan3A = arith.constant 0 : i32
    %scan3A_1 = arith.constant 0 : i32
    %scan3A_2 = arith.constant 13 : i32
    %scan3A_3 = arith.addi %scan3A_1, %scan3A_2 : i32
    %scan3A_4 = arith.constant 1 : i32
    scf.for %scan3A_12 = %scan3A_1 to %scan3A_3 step %scan3A_4  : i32 {
      %mul3A_13 = arith.constant 13 : i32
      %mul3A_14 = arith.muli %add3A, %mul3A_13 : i32
      %add3A_15 = arith.addi %mul3A_14, %scan3A_12 : i32
      %jit3A = arith.constant 16 : i32
      %div3A = arith.divsi %add3A_15, %jit3A : i32
      %sign3A = arith.constant 0 : i32
      %sign3A_16 = arith.cmpi sgt, %add3A_15, %sign3A : i32
      %sign3A_17 = arith.extui %sign3A_16 : i1 to i32
      %sign3A_18 = arith.constant 0 : i32
      %sign3A_19 = arith.cmpi slt, %add3A_15, %sign3A_18 : i32
      %sign3A_20 = arith.extui %sign3A_19 : i1 to i32
      %sign3A_21 = arith.subi %sign3A_17, %sign3A_20 : i32
      %sign3A_22 = arith.constant 0 : i32
      %sign3A_23 = arith.cmpi sgt, %jit3A, %sign3A_22 : i32
      %sign3A_24 = arith.extui %sign3A_23 : i1 to i32
      %sign3A_25 = arith.constant 0 : i32
      %sign3A_26 = arith.cmpi slt, %jit3A, %sign3A_25 : i32
      %sign3A_27 = arith.extui %sign3A_26 : i1 to i32
      %sign3A_28 = arith.subi %sign3A_24, %sign3A_27 : i32
      %ne3A = arith.cmpi ne, %sign3A_21, %sign3A_28 : i32
      %rem3A = arith.remsi %add3A_15, %jit3A : i32
      %ne3A_29 = arith.constant 0 : i32
      %ne3A_30 = arith.cmpi ne, %rem3A, %ne3A_29 : i32
      %and3A = arith.andi %ne3A, %ne3A_30 : i1
      %sub3A = arith.constant 1 : i32
      %sub3A_31 = arith.subi %div3A, %sub3A : i32
      %select_n3A = arith.select %and3A, %sub3A_31, %div3A : i32
      %rem3A_32 = arith.constant 16 : i32
      %rem3A_33 = arith.remsi %add3A_15, %rem3A_32 : i32
      %dma_start3A = arith.constant 0 : i32
      %dma_start3A_34 = tpu.memref_slice %arg2[%select_n3A, %rem3A_33, %dma_start3A] : memref<26x16x100000xf32, #tpu.memory_space<hbm>> -> memref<1x1x100000xf32, #tpu.memory_space<hbm>>
      %dma_start3A_35 = tpu.memref_squeeze %dma_start3A_34 : memref<1x1x100000xf32, #tpu.memory_space<hbm>> -> memref<100000xf32, #tpu.memory_space<hbm>>
      %dma_start3A_36 = arith.constant 0 : i32
      %dma_start3A_37 = tpu.memref_slice %arg2[%select_n3A, %rem3A_33, %dma_start3A_36] : memref<26x16x100000xf32, #tpu.memory_space<hbm>> -> memref<1x1x100000xf32, #tpu.memory_space<hbm>>
      %dma_start3A_38 = tpu.memref_squeeze %dma_start3A_37 : memref<1x1x100000xf32, #tpu.memory_space<hbm>> -> memref<100000xf32, #tpu.memory_space<hbm>>
      tpu.enqueue_dma source(%dma_start3A_38 : memref<100000xf32, #tpu.memory_space<hbm>>) target(%arg5 : memref<100000xf32, #tpu.memory_space<vmem>>) target_semaphore(%arg7 : memref<!tpu.dma_semaphore, #tpu.memory_space<semaphore_mem>>)
      %gt3A = arith.constant 0 : i32
      %gt3A_39 = arith.cmpi sgt, %scan3A_12, %gt3A : i32
      %convert_element_type3A = arith.extui %gt3A_39 : i1 to i32
      %cond3A = arith.constant 0 : i32
      %cond3A_40 = arith.cmpi ne, %convert_element_type3A, %cond3A : i32
      scf.if %cond3A_40 {
        %dma_wait3A_67 = arith.constant 0 : i32
        %dma_wait3A_68 = tpu.memref_slice %arg4[%add3A_15, %dma_wait3A_67] : memref<416x16384xf32, #tpu.memory_space<hbm>> -> memref<1x16384xf32, #tpu.memory_space<hbm>>
        %dma_wait3A_69 = tpu.memref_squeeze %dma_wait3A_68 : memref<1x16384xf32, #tpu.memory_space<hbm>> -> memref<16384xf32, #tpu.memory_space<hbm>>
        %dma_wait3A_70 = arith.constant 0 : i32
        %dma_wait3A_71 = tpu.memref_slice %arg4[%add3A_15, %dma_wait3A_70] : memref<416x16384xf32, #tpu.memory_space<hbm>> -> memref<1x16384xf32, #tpu.memory_space<hbm>>
        %dma_wait3A_72 = tpu.memref_squeeze %dma_wait3A_71 : memref<1x16384xf32, #tpu.memory_space<hbm>> -> memref<16384xf32, #tpu.memory_space<hbm>>
        tpu.wait_dma2 semaphore(%arg9 : memref<!tpu.dma_semaphore, #tpu.memory_space<semaphore_mem>>) src(%arg6 : memref<16384xf32, #tpu.memory_space<vmem>>) dst(%dma_wait3A_72 : memref<16384xf32, #tpu.memory_space<hbm>>)
      } else {
      }
      %dma_start3A_41 = arith.constant 0 : i32
      %dma_start3A_42 = tpu.memref_slice %arg3[%select_n3A, %dma_start3A_41] : memref<26x16384xf32, #tpu.memory_space<hbm>> -> memref<1x16384xf32, #tpu.memory_space<hbm>>
      %dma_start3A_43 = tpu.memref_squeeze %dma_start3A_42 : memref<1x16384xf32, #tpu.memory_space<hbm>> -> memref<16384xf32, #tpu.memory_space<hbm>>
      %dma_start3A_44 = arith.constant 0 : i32
      %dma_start3A_45 = tpu.memref_slice %arg3[%select_n3A, %dma_start3A_44] : memref<26x16384xf32, #tpu.memory_space<hbm>> -> memref<1x16384xf32, #tpu.memory_space<hbm>>
      %dma_start3A_46 = tpu.memref_squeeze %dma_start3A_45 : memref<1x16384xf32, #tpu.memory_space<hbm>> -> memref<16384xf32, #tpu.memory_space<hbm>>
      tpu.enqueue_dma source(%dma_start3A_46 : memref<16384xf32, #tpu.memory_space<hbm>>) target(%arg6 : memref<16384xf32, #tpu.memory_space<vmem>>) target_semaphore(%arg8 : memref<!tpu.dma_semaphore, #tpu.memory_space<semaphore_mem>>)
      %dma_wait3A_47 = arith.constant 0 : i32
      %dma_wait3A_48 = tpu.memref_slice %arg3[%select_n3A, %dma_wait3A_47] : memref<26x16384xf32, #tpu.memory_space<hbm>> -> memref<1x16384xf32, #tpu.memory_space<hbm>>
      %dma_wait3A_49 = tpu.memref_squeeze %dma_wait3A_48 : memref<1x16384xf32, #tpu.memory_space<hbm>> -> memref<16384xf32, #tpu.memory_space<hbm>>
      %dma_wait3A_50 = arith.constant 0 : i32
      %dma_wait3A_51 = tpu.memref_slice %arg3[%select_n3A, %dma_wait3A_50] : memref<26x16384xf32, #tpu.memory_space<hbm>> -> memref<1x16384xf32, #tpu.memory_space<hbm>>
      %dma_wait3A_52 = tpu.memref_squeeze %dma_wait3A_51 : memref<1x16384xf32, #tpu.memory_space<hbm>> -> memref<16384xf32, #tpu.memory_space<hbm>>
      tpu.wait_dma2 semaphore(%arg8 : memref<!tpu.dma_semaphore, #tpu.memory_space<semaphore_mem>>) src(%dma_wait3A_52 : memref<16384xf32, #tpu.memory_space<hbm>>) dst(%arg6 : memref<16384xf32, #tpu.memory_space<vmem>>)
      %dma_wait3A_53 = arith.constant 0 : i32
      %dma_wait3A_54 = tpu.memref_slice %arg2[%select_n3A, %rem3A_33, %dma_wait3A_53] : memref<26x16x100000xf32, #tpu.memory_space<hbm>> -> memref<1x1x100000xf32, #tpu.memory_space<hbm>>
      %dma_wait3A_55 = tpu.memref_squeeze %dma_wait3A_54 : memref<1x1x100000xf32, #tpu.memory_space<hbm>> -> memref<100000xf32, #tpu.memory_space<hbm>>
      %dma_wait3A_56 = arith.constant 0 : i32
      %dma_wait3A_57 = tpu.memref_slice %arg2[%select_n3A, %rem3A_33, %dma_wait3A_56] : memref<26x16x100000xf32, #tpu.memory_space<hbm>> -> memref<1x1x100000xf32, #tpu.memory_space<hbm>>
      %dma_wait3A_58 = tpu.memref_squeeze %dma_wait3A_57 : memref<1x1x100000xf32, #tpu.memory_space<hbm>> -> memref<100000xf32, #tpu.memory_space<hbm>>
      tpu.wait_dma2 semaphore(%arg7 : memref<!tpu.dma_semaphore, #tpu.memory_space<semaphore_mem>>) src(%dma_wait3A_58 : memref<100000xf32, #tpu.memory_space<hbm>>) dst(%arg5 : memref<100000xf32, #tpu.memory_space<vmem>>)
      %parallel_loop3A = arith.constant 0 : i32
      %parallel_loop3A_59 = arith.constant 1024 : i32
      %parallel_loop3A_60 = arith.constant 1 : i32
      scf.for %parallel_loop3A_67 = %parallel_loop3A to %parallel_loop3A_59 step %parallel_loop3A_60  : i32 {
        %parallel_loop3A_68 = arith.constant 16 : i32
        %parallel_loop3A_69 = arith.muli %parallel_loop3A_67, %parallel_loop3A_68 : i32
        %parallel_loop3A_70 = arith.index_cast %parallel_loop3A_69 : i32 to index
        %parallel_loop3A_71 = tpu.vector_load %arg6[%parallel_loop3A_70] {strides = array<i32>} : memref<16384xf32, #tpu.memory_space<vmem>>, vector<16xf32>,
        %parallel_loop3A_72 = vector.bitcast %parallel_loop3A_71 : vector<16xf32> to vector<16xi32>
        %parallel_loop3A_73 = tpu.vector_load_idx %arg5[%parallel_loop3A_72] : memref<100000xf32, #tpu.memory_space<vmem>>[vector<16xi32>], vector<16xf32>,
        %parallel_loop3A_74 = arith.constant 16 : i32
        %parallel_loop3A_75 = arith.muli %parallel_loop3A_67, %parallel_loop3A_74 : i32
        %parallel_loop3A_76 = arith.index_cast %parallel_loop3A_75 : i32 to index
        %parallel_loop3A_77 = tpu.vector_load %arg6[%parallel_loop3A_76] {strides = array<i32>} : memref<16384xf32, #tpu.memory_space<vmem>>, vector<16xf32>,
        tpu.vector_store %arg6[%parallel_loop3A_76], %parallel_loop3A_73 {strides = array<i32>} : memref<16384xf32, #tpu.memory_space<vmem>>, vector<16xf32>,
      } {sc.loop_unroll_factor = 24 : i64, sc.parallel_access}
      %dma_start3A_61 = arith.constant 0 : i32
      %dma_start3A_62 = tpu.memref_slice %arg4[%add3A_15, %dma_start3A_61] : memref<416x16384xf32, #tpu.memory_space<hbm>> -> memref<1x16384xf32, #tpu.memory_space<hbm>>
      %dma_start3A_63 = tpu.memref_squeeze %dma_start3A_62 : memref<1x16384xf32, #tpu.memory_space<hbm>> -> memref<16384xf32, #tpu.memory_space<hbm>>
      %dma_start3A_64 = arith.constant 0 : i32
      %dma_start3A_65 = tpu.memref_slice %arg4[%add3A_15, %dma_start3A_64] : memref<416x16384xf32, #tpu.memory_space<hbm>> -> memref<1x16384xf32, #tpu.memory_space<hbm>>
      %dma_start3A_66 = tpu.memref_squeeze %dma_start3A_65 : memref<1x16384xf32, #tpu.memory_space<hbm>> -> memref<16384xf32, #tpu.memory_space<hbm>>
      tpu.enqueue_dma source(%arg6 : memref<16384xf32, #tpu.memory_space<vmem>>) target(%dma_start3A_66 : memref<16384xf32, #tpu.memory_space<hbm>>) target_semaphore(%arg9 : memref<!tpu.dma_semaphore, #tpu.memory_space<semaphore_mem>>)
    }
    %scan3A_5 = arith.constant 13 : i32
    %dma_wait3A = arith.constant 0 : i32
    %dma_wait3A_6 = arith.constant 0 : i32
    %dma_wait3A_7 = tpu.memref_slice %arg4[%dma_wait3A, %dma_wait3A_6] : memref<416x16384xf32, #tpu.memory_space<hbm>> -> memref<1x16384xf32, #tpu.memory_space<hbm>>
    %dma_wait3A_8 = tpu.memref_squeeze %dma_wait3A_7 : memref<1x16384xf32, #tpu.memory_space<hbm>> -> memref<16384xf32, #tpu.memory_space<hbm>>
    %dma_wait3A_9 = arith.constant 0 : i32
    %dma_wait3A_10 = tpu.memref_slice %arg4[%dma_wait3A, %dma_wait3A_9] : memref<416x16384xf32, #tpu.memory_space<hbm>> -> memref<1x16384xf32, #tpu.memory_space<hbm>>
    %dma_wait3A_11 = tpu.memref_squeeze %dma_wait3A_10 : memref<1x16384xf32, #tpu.memory_space<hbm>> -> memref<16384xf32, #tpu.memory_space<hbm>>
    tpu.wait_dma2 semaphore(%arg9 : memref<!tpu.dma_semaphore, #tpu.memory_space<semaphore_mem>>) src(%arg6 : memref<16384xf32, #tpu.memory_space<vmem>>) dst(%dma_wait3A_11 : memref<16384xf32, #tpu.memory_space<hbm>>)
    return
  }
}

module attributes {stable_mosaic.version = 14 : i64} {
  func.func @_mlp_body(%arg0: i32, %arg1: memref<16x4096xf32, #tpu.memory_space<vmem>>, %arg2: memref<416x4096xf32, #tpu.memory_space<vmem>>, %arg3: memref<64x16xf32, #tpu.memory_space<vmem>>, %arg4: memref<64x416xf32, #tpu.memory_space<vmem>>, %arg5: memref<64x1xf32, #tpu.memory_space<vmem>>, %arg6: memref<64x1xf32, #tpu.memory_space<vmem>>, %arg7: memref<64x1xf32, #tpu.memory_space<vmem>>, %arg8: memref<32x64xf32, #tpu.memory_space<vmem>>, %arg9: memref<32x1xf32, #tpu.memory_space<vmem>>, %arg10: memref<32x1xf32, #tpu.memory_space<vmem>>, %arg11: memref<32x1xf32, #tpu.memory_space<vmem>>, %arg12: memref<32x1xf32, #tpu.memory_space<vmem>>, %arg13: memref<1x1xf32, #tpu.memory_space<vmem>>, %arg14: memref<4096xf32, #tpu.memory_space<vmem>>) attributes {dimension_semantics = [#tpu.dimension_semantics<arbitrary>], iteration_bounds = array<i64: 4>, scalar_prefetch = 0 : i64, scratch_operands = 0 : i64, tpu.core_type = #tpu.core_type<tc>, window_params = [{transform_indices = @transform_0, window_bounds = array<i64: 16, 4096>}, {transform_indices = @transform_1, window_bounds = array<i64: 416, 4096>}, {pipeline_mode = #tpu.pipeline_mode<synchronous>, transform_indices = @transform_2, window_bounds = array<i64: 64, 16>}, {pipeline_mode = #tpu.pipeline_mode<synchronous>, transform_indices = @transform_3, window_bounds = array<i64: 64, 416>}, {pipeline_mode = #tpu.pipeline_mode<synchronous>, transform_indices = @transform_4, window_bounds = array<i64: 64, 1>}, {pipeline_mode = #tpu.pipeline_mode<synchronous>, transform_indices = @transform_5, window_bounds = array<i64: 64, 1>}, {pipeline_mode = #tpu.pipeline_mode<synchronous>, transform_indices = @transform_6, window_bounds = array<i64: 64, 1>}, {pipeline_mode = #tpu.pipeline_mode<synchronous>, transform_indices = @transform_7, window_bounds = array<i64: 32, 64>}, {pipeline_mode = #tpu.pipeline_mode<synchronous>, transform_indices = @transform_8, window_bounds = array<i64: 32, 1>}, {pipeline_mode = #tpu.pipeline_mode<synchronous>, transform_indices = @transform_9, window_bounds = array<i64: 32, 1>}, {pipeline_mode = #tpu.pipeline_mode<synchronous>, transform_indices = @transform_10, window_bounds = array<i64: 32, 1>}, {pipeline_mode = #tpu.pipeline_mode<synchronous>, transform_indices = @transform_11, window_bounds = array<i64: 32, 1>}, {pipeline_mode = #tpu.pipeline_mode<synchronous>, transform_indices = @transform_12, window_bounds = array<i64: 1, 1>}, {transform_indices = @transform_13, window_bounds = array<i64: 4096>}]} {
    %get3A = arith.constant 0 : index
    %get3A_0 = arith.constant 0 : index
    %get3A_1 = vector.load %arg3[%get3A, %get3A_0] : memref<64x16xf32, #tpu.memory_space<vmem>>, vector<64x16xf32>
    %get3A_2 = arith.constant 0 : index
    %get3A_3 = arith.constant 0 : index
    %get3A_4 = vector.load %arg1[%get3A_2, %get3A_3] : memref<16x4096xf32, #tpu.memory_space<vmem>>, vector<16x4096xf32>
    %dot_general3A = arith.constant dense<0.000000e+00> : vector<64x4096xf32>
    %dot_general3A_5 = tpu.matmul %get3A_1, %get3A_4, %dot_general3A {dimension_numbers = #tpu.dot_dimension_numbers<[1], [0], [0], [1], [0, 0, 1, 1], [], []>, transpose_lhs_hint = false} : vector<64x16xf32>, vector<16x4096xf32>, vector<64x4096xf32> -> vector<64x4096xf32>
    %get3A_6 = arith.constant 0 : index
    %get3A_7 = arith.constant 0 : index
    %get3A_8 = vector.load %arg4[%get3A_6, %get3A_7] : memref<64x416xf32, #tpu.memory_space<vmem>>, vector<64x416xf32>
    %get3A_9 = arith.constant 0 : index
    %get3A_10 = arith.constant 0 : index
    %get3A_11 = vector.load %arg2[%get3A_9, %get3A_10] : memref<416x4096xf32, #tpu.memory_space<vmem>>, vector<416x4096xf32>
    %dot_general3A_12 = arith.constant dense<0.000000e+00> : vector<64x4096xf32>
    %dot_general3A_13 = tpu.matmul %get3A_8, %get3A_11, %dot_general3A_12 {dimension_numbers = #tpu.dot_dimension_numbers<[1], [0], [0], [1], [0, 0, 1, 1], [], []>, transpose_lhs_hint = false} : vector<64x416xf32>, vector<416x4096xf32>, vector<64x4096xf32> -> vector<64x4096xf32>
    %add3A = arith.addf %dot_general3A_5, %dot_general3A_13 : vector<64x4096xf32>
    %get3A_14 = arith.constant 0 : index
    %get3A_15 = arith.constant 0 : index
    %get3A_16 = vector.load %arg5[%get3A_14, %get3A_15] : memref<64x1xf32, #tpu.memory_space<vmem>>, vector<64x1xf32>
    %add3A_17 = vector.broadcast %get3A_16 : vector<64x1xf32> to vector<64x4096xf32>
    %add3A_18 = arith.addf %add3A, %add3A_17 : vector<64x4096xf32>
    %max3A = arith.constant 0.000000e+00 : f32
    %max3A_19 = vector.broadcast %max3A : f32 to vector<64x4096xf32>
    %max3A_20 = arith.maximumf %add3A_18, %max3A_19 : vector<64x4096xf32>
    %reduce_sum3A = arith.constant dense<0.000000e+00> : vector<4096xf32>
    %reduce_sum3A_21 = vector.multi_reduction <add>, %max3A_20, %reduce_sum3A [0] : vector<64x4096xf32> to vector<4096xf32>
    %broadcast_in_dim3A = vector.shape_cast %reduce_sum3A_21 : vector<4096xf32> to vector<1x4096xf32>
    %div3A = arith.constant 6.400000e+01 : f32
    %div3A_22 = vector.broadcast %div3A : f32 to vector<1x4096xf32>
    %div3A_23 = arith.divf %broadcast_in_dim3A, %div3A_22 : vector<1x4096xf32>
    %sub3A = vector.broadcast %div3A_23 : vector<1x4096xf32> to vector<64x4096xf32>
    %sub3A_24 = arith.subf %max3A_20, %sub3A : vector<64x4096xf32>
    %mul3A = arith.mulf %sub3A_24, %sub3A_24 : vector<64x4096xf32>
    %reduce_sum3A_25 = arith.constant dense<0.000000e+00> : vector<4096xf32>
    %reduce_sum3A_26 = vector.multi_reduction <add>, %mul3A, %reduce_sum3A_25 [0] : vector<64x4096xf32> to vector<4096xf32>
    %broadcast_in_dim3A_27 = vector.shape_cast %reduce_sum3A_26 : vector<4096xf32> to vector<1x4096xf32>
    %div3A_28 = arith.constant 6.400000e+01 : f32
    %div3A_29 = vector.broadcast %div3A_28 : f32 to vector<1x4096xf32>
    %div3A_30 = arith.divf %broadcast_in_dim3A_27, %div3A_29 : vector<1x4096xf32>
    %add3A_31 = arith.constant 9.99999974E-6 : f32
    %add3A_32 = vector.broadcast %add3A_31 : f32 to vector<1x4096xf32>
    %add3A_33 = arith.addf %div3A_30, %add3A_32 : vector<1x4096xf32>
    %rsqrt3A = math.rsqrt %add3A_33 : vector<1x4096xf32>
    %mul3A_34 = vector.broadcast %rsqrt3A : vector<1x4096xf32> to vector<64x4096xf32>
    %mul3A_35 = arith.mulf %sub3A_24, %mul3A_34 : vector<64x4096xf32>
    %get3A_36 = arith.constant 0 : index
    %get3A_37 = arith.constant 0 : index
    %get3A_38 = vector.load %arg6[%get3A_36, %get3A_37] : memref<64x1xf32, #tpu.memory_space<vmem>>, vector<64x1xf32>
    %mul3A_39 = vector.broadcast %get3A_38 : vector<64x1xf32> to vector<64x4096xf32>
    %mul3A_40 = arith.mulf %mul3A_35, %mul3A_39 : vector<64x4096xf32>
    %get3A_41 = arith.constant 0 : index
    %get3A_42 = arith.constant 0 : index
    %get3A_43 = vector.load %arg7[%get3A_41, %get3A_42] : memref<64x1xf32, #tpu.memory_space<vmem>>, vector<64x1xf32>
    %add3A_44 = vector.broadcast %get3A_43 : vector<64x1xf32> to vector<64x4096xf32>
    %add3A_45 = arith.addf %mul3A_40, %add3A_44 : vector<64x4096xf32>
    %get3A_46 = arith.constant 0 : index
    %get3A_47 = arith.constant 0 : index
    %get3A_48 = vector.load %arg8[%get3A_46, %get3A_47] : memref<32x64xf32, #tpu.memory_space<vmem>>, vector<32x64xf32>
    %dot_general3A_49 = arith.constant dense<0.000000e+00> : vector<32x4096xf32>
    %dot_general3A_50 = tpu.matmul %get3A_48, %add3A_45, %dot_general3A_49 {dimension_numbers = #tpu.dot_dimension_numbers<[1], [0], [0], [1], [0, 0, 1, 1], [], []>, transpose_lhs_hint = false} : vector<32x64xf32>, vector<64x4096xf32>, vector<32x4096xf32> -> vector<32x4096xf32>
    %get3A_51 = arith.constant 0 : index
    %get3A_52 = arith.constant 0 : index
    %get3A_53 = vector.load %arg9[%get3A_51, %get3A_52] : memref<32x1xf32, #tpu.memory_space<vmem>>, vector<32x1xf32>
    %add3A_54 = vector.broadcast %get3A_53 : vector<32x1xf32> to vector<32x4096xf32>
    %add3A_55 = arith.addf %dot_general3A_50, %add3A_54 : vector<32x4096xf32>
    %max3A_56 = arith.constant 0.000000e+00 : f32
    %max3A_57 = vector.broadcast %max3A_56 : f32 to vector<32x4096xf32>
    %max3A_58 = arith.maximumf %add3A_55, %max3A_57 : vector<32x4096xf32>
    %reduce_sum3A_59 = arith.constant dense<0.000000e+00> : vector<4096xf32>
    %reduce_sum3A_60 = vector.multi_reduction <add>, %max3A_58, %reduce_sum3A_59 [0] : vector<32x4096xf32> to vector<4096xf32>
    %broadcast_in_dim3A_61 = vector.shape_cast %reduce_sum3A_60 : vector<4096xf32> to vector<1x4096xf32>
    %div3A_62 = arith.constant 3.200000e+01 : f32
    %div3A_63 = vector.broadcast %div3A_62 : f32 to vector<1x4096xf32>
    %div3A_64 = arith.divf %broadcast_in_dim3A_61, %div3A_63 : vector<1x4096xf32>
    %sub3A_65 = vector.broadcast %div3A_64 : vector<1x4096xf32> to vector<32x4096xf32>
    %sub3A_66 = arith.subf %max3A_58, %sub3A_65 : vector<32x4096xf32>
    %mul3A_67 = arith.mulf %sub3A_66, %sub3A_66 : vector<32x4096xf32>
    %reduce_sum3A_68 = arith.constant dense<0.000000e+00> : vector<4096xf32>
    %reduce_sum3A_69 = vector.multi_reduction <add>, %mul3A_67, %reduce_sum3A_68 [0] : vector<32x4096xf32> to vector<4096xf32>
    %broadcast_in_dim3A_70 = vector.shape_cast %reduce_sum3A_69 : vector<4096xf32> to vector<1x4096xf32>
    %div3A_71 = arith.constant 3.200000e+01 : f32
    %div3A_72 = vector.broadcast %div3A_71 : f32 to vector<1x4096xf32>
    %div3A_73 = arith.divf %broadcast_in_dim3A_70, %div3A_72 : vector<1x4096xf32>
    %add3A_74 = arith.constant 9.99999974E-6 : f32
    %add3A_75 = vector.broadcast %add3A_74 : f32 to vector<1x4096xf32>
    %add3A_76 = arith.addf %div3A_73, %add3A_75 : vector<1x4096xf32>
    %rsqrt3A_77 = math.rsqrt %add3A_76 : vector<1x4096xf32>
    %mul3A_78 = vector.broadcast %rsqrt3A_77 : vector<1x4096xf32> to vector<32x4096xf32>
    %mul3A_79 = arith.mulf %sub3A_66, %mul3A_78 : vector<32x4096xf32>
    %get3A_80 = arith.constant 0 : index
    %get3A_81 = arith.constant 0 : index
    %get3A_82 = vector.load %arg10[%get3A_80, %get3A_81] : memref<32x1xf32, #tpu.memory_space<vmem>>, vector<32x1xf32>
    %mul3A_83 = vector.broadcast %get3A_82 : vector<32x1xf32> to vector<32x4096xf32>
    %mul3A_84 = arith.mulf %mul3A_79, %mul3A_83 : vector<32x4096xf32>
    %get3A_85 = arith.constant 0 : index
    %get3A_86 = arith.constant 0 : index
    %get3A_87 = vector.load %arg11[%get3A_85, %get3A_86] : memref<32x1xf32, #tpu.memory_space<vmem>>, vector<32x1xf32>
    %add3A_88 = vector.broadcast %get3A_87 : vector<32x1xf32> to vector<32x4096xf32>
    %add3A_89 = arith.addf %mul3A_84, %add3A_88 : vector<32x4096xf32>
    %get3A_90 = arith.constant 0 : index
    %get3A_91 = arith.constant 0 : index
    %get3A_92 = vector.load %arg12[%get3A_90, %get3A_91] : memref<32x1xf32, #tpu.memory_space<vmem>>, vector<32x1xf32>
    %mul3A_93 = vector.broadcast %get3A_92 : vector<32x1xf32> to vector<32x4096xf32>
    %mul3A_94 = arith.mulf %add3A_89, %mul3A_93 : vector<32x4096xf32>
    %reduce_sum3A_95 = arith.constant dense<0.000000e+00> : vector<4096xf32>
    %reduce_sum3A_96 = vector.multi_reduction <add>, %mul3A_94, %reduce_sum3A_95 [0] : vector<32x4096xf32> to vector<4096xf32>
    %get3A_97 = arith.constant 0 : index
    %get3A_98 = arith.constant 0 : index
    %get3A_99 = vector.load %arg13[%get3A_97, %get3A_98] : memref<1x1xf32, #tpu.memory_space<vmem>>, vector<1x1xf32>
    %get3A_100 = vector.extract %get3A_99[0, 0] : f32 from vector<1x1xf32>
    %add3A_101 = vector.broadcast %get3A_100 : f32 to vector<4096xf32>
    %add3A_102 = arith.addf %reduce_sum3A_96, %add3A_101 : vector<4096xf32>
    %swap3A = arith.constant 0 : index
    %swap3A_103 = vector.load %arg14[%swap3A] : memref<4096xf32, #tpu.memory_space<vmem>>, vector<4096xf32>
    tpu.vector_store %arg14[%swap3A], %add3A_102 {strides = array<i32>} : memref<4096xf32, #tpu.memory_space<vmem>>, vector<4096xf32>,
    return
  }
  func.func @transform_0(%arg0: i32) -> (i32, i32) {
    %c0_i32 = arith.constant 0 : i32
    %c0_i32_0 = arith.constant 0 : i32
    return %c0_i32, %arg0 : i32, i32
  }
  func.func @transform_1(%arg0: i32) -> (i32, i32) {
    %c0_i32 = arith.constant 0 : i32
    %c0_i32_0 = arith.constant 0 : i32
    return %c0_i32, %arg0 : i32, i32
  }
  func.func @transform_2(%arg0: i32) -> (i32, i32) {
    %c0_i32 = arith.constant 0 : i32
    %c0_i32_0 = arith.constant 0 : i32
    %c0_i32_1 = arith.constant 0 : i32
    return %c0_i32, %c0_i32_0 : i32, i32
  }
  func.func @transform_3(%arg0: i32) -> (i32, i32) {
    %c0_i32 = arith.constant 0 : i32
    %c0_i32_0 = arith.constant 0 : i32
    %c0_i32_1 = arith.constant 0 : i32
    return %c0_i32, %c0_i32_0 : i32, i32
  }
  func.func @transform_4(%arg0: i32) -> (i32, i32) {
    %c0_i32 = arith.constant 0 : i32
    %c0_i32_0 = arith.constant 0 : i32
    %c0_i32_1 = arith.constant 0 : i32
    return %c0_i32, %c0_i32_0 : i32, i32
  }
  func.func @transform_5(%arg0: i32) -> (i32, i32) {
    %c0_i32 = arith.constant 0 : i32
    %c0_i32_0 = arith.constant 0 : i32
    %c0_i32_1 = arith.constant 0 : i32
    return %c0_i32, %c0_i32_0 : i32, i32
  }
  func.func @transform_6(%arg0: i32) -> (i32, i32) {
    %c0_i32 = arith.constant 0 : i32
    %c0_i32_0 = arith.constant 0 : i32
    %c0_i32_1 = arith.constant 0 : i32
    return %c0_i32, %c0_i32_0 : i32, i32
  }
  func.func @transform_7(%arg0: i32) -> (i32, i32) {
    %c0_i32 = arith.constant 0 : i32
    %c0_i32_0 = arith.constant 0 : i32
    %c0_i32_1 = arith.constant 0 : i32
    return %c0_i32, %c0_i32_0 : i32, i32
  }
  func.func @transform_8(%arg0: i32) -> (i32, i32) {
    %c0_i32 = arith.constant 0 : i32
    %c0_i32_0 = arith.constant 0 : i32
    %c0_i32_1 = arith.constant 0 : i32
    return %c0_i32, %c0_i32_0 : i32, i32
  }
  func.func @transform_9(%arg0: i32) -> (i32, i32) {
    %c0_i32 = arith.constant 0 : i32
    %c0_i32_0 = arith.constant 0 : i32
    %c0_i32_1 = arith.constant 0 : i32
    return %c0_i32, %c0_i32_0 : i32, i32
  }
  func.func @transform_10(%arg0: i32) -> (i32, i32) {
    %c0_i32 = arith.constant 0 : i32
    %c0_i32_0 = arith.constant 0 : i32
    %c0_i32_1 = arith.constant 0 : i32
    return %c0_i32, %c0_i32_0 : i32, i32
  }
  func.func @transform_11(%arg0: i32) -> (i32, i32) {
    %c0_i32 = arith.constant 0 : i32
    %c0_i32_0 = arith.constant 0 : i32
    %c0_i32_1 = arith.constant 0 : i32
    return %c0_i32, %c0_i32_0 : i32, i32
  }
  func.func @transform_12(%arg0: i32) -> (i32, i32) {
    %c0_i32 = arith.constant 0 : i32
    %c0_i32_0 = arith.constant 0 : i32
    %c0_i32_1 = arith.constant 0 : i32
    return %c0_i32, %c0_i32_0 : i32, i32
  }
  func.func @transform_13(%arg0: i32) -> i32 {
    %c0_i32 = arith.constant 0 : i32
    return %arg0 : i32
  }
}

</mosaic_0001>

<sc_bundles>
// kernel: kernel.4.cloned.1.call-start
scs
__scs_entry_jumppad:
0x0: {  	(pc) =	sbr.rel $0x88, $3  }
0x1: {  	(tag) =	ssettag $0x0;
	lr =	simm.s32 $0x1  }
0x2: {  	[smem:$0x3F94] =	sst lr;
	_ =	strace $0xD0000000  }
0x3: {  	_ = 	snop  }
0x4: {  	_ = 	snop  }
0x5: {  	_ = 	snop  }
0x6: {  	_ = 	snop  }
0x7: {  	_ = 	snop  }
__scs_overlays_trampoline_lowered:
0x8: {  	[smem:$0x3FA3] =	sst s0  }
0x9: {  	[smem:$0x3FA4] =	sst s1  }
0xa: {  	[smem:$0x3FA5] =	sst s2  }
0xb: {  	[smem:$0x3FA6] =	sst s3  }
0xc: {  	[smem:$0x3FA7] =	sst s4  }
0xd: {  	[smem:$0x3FA8] =	sst s5  }
0xe: {  	[smem:$0x3FA9] =	sst s6  }
0xf: {  	[smem:$0x3FAA] =	sst s7  }
0x10: {  	[smem:$0x3FAB] =	sst s8  }
0x11: {  	[smem:$0x3FAC] =	sst s9;
	s0 =	simm.s32 @!p0 $0x0  }
0x12: {  	s1 =	sld [smem:$0x3F92];
	s0 =	simm.s32 @p0 $0x1  }
0x13: {  	[smem:$0x3FAD] =	sst s0;
	s0 =	simm.s32 @!p1 $0x0  }
0x14: {  	s2 =	sld [smem:$0x3F91];
	s0 =	simm.s32 @p1 $0x1  }
0x15: {  	[smem:$0x3FAE] =	sst s0;
	s0 =	simm.s32 @!p2 $0x0  }
0x16: {  	s3 =	sld [smem:$0x3FDB];
	s0 =	simm.s32 @p2 $0x1  }
0x17: {  	s4 =	simm.s32 $0x1BF5;
	[smem:$0x3FB0] =	sst s0  }
0x18: {  	s0 =	sld [smem:$0x3F93];
	_ =	swait.ge [sflag:s4], $0x0  }
0x19: {  	s7 =	sld [smem:$0x3F94]  }
0x1a: {  	s8 =	sadd.s32 $0xFFFFE003, lr  }
0x1b: {  	s9 =	sadd.s32 $0xFFFFFEF7, lr;
	s5 =	simm.s32 $0xFFFFFFFF;
	p2 =	slt.u32 s8, $0xFFFFF086  }
0x1c: {  	p1 =	slt.u32 s9, $0xF7A;
	s5 =	simm.s32 @!p2 $0x0  }
0x1d: {  	s5 =	simm.s32 @p1 $0x1;
	p0 =	seq.s32 s7, s2  }
0x1e: {  	s7 =	smul.u32 @!p0 $0xF7A, s2;
	p2 =	seq.s32 @!p0 s5, $0x0  }
0x1f: {  	s9 =	smul.u32 $0xF7A, s1;
	s8 =	simm.s32 @!p0 $0x1BF5;
	p2 =	por !p2, p0  }
0x20: {  	[sflag:s8] =	ssyncset.s32 @!p0 $0xFFFFF086;
	s6 =	sadd.s32 @!p0 s3, s7;
	s7 =	simm.s32 @!p0 $0x108  }
0x21: {  	s3 =	sadd.s32 s3, s9;
	s6 =	sadd.s32 @!p0 $0x88, s6;
	s7 =	simm.s32 @p2 $0x1082  }
0x22: {  	[simem:s7], [sflag:s8] =	dma.local @!p0 [hbm:s6], $0xF7A  }
0x23: {  	s9 =	sor.u32 $0xD0000000, s2;
	s6 =	simm.s32 $0x108;
	_ =	swait.ge @!p0 [sflag:s8], $0x0  }
0x24: {  	s3 =	sadd.s32 $0x88, s3;
	s6 =	simm.s32 @!p1 $0x1082;
	[sflag:s4] =	ssyncset.s32 $0xFFFFF086  }
0x25: {  	[simem:s6], [sflag:s4] =	dma.local [hbm:s3], $0xF7A  }
0x26: {  	[smem:$0x3F94] =	sst s1;
	(tag) =	ssettag s2;
	_ =	strace s9  }
0x27: {  	s1 =	sld [smem:$0x3FA4]  }
0x28: {  	s2 =	sld [smem:$0x3FA5]  }
0x29: {  	s4 =	sld [smem:$0x3FA7]  }
0x2a: {  	p0 =	seq.s32 s5, $0x0;
	s5 =	sld [smem:$0x3FA8]  }
0x2b: {  	s6 =	sld [smem:$0x3FA9]  }
0x2c: {  	s7 =	sld [smem:$0x3FAA]  }
0x2d: {  	s3 =	simm.s32 $0x108;
	s8 =	sld [smem:$0x3FAB]  }
0x2e: {  	s3 =	simm.s32 @!p0 $0x1082;
	s9 =	sld [smem:$0x3FAC]  }
0x2f: {  	lr =	sadd.s32 s0, s3;
	s0 =	sld [smem:$0x3FA3]  }
0x30: {  	s3 =	sld [smem:$0x3FA6]  }
0x31: {  	[smem:$0x3FAF] =	sst s10  }
0x32: {  	s10 =	sld [smem:$0x3FAD];
	_ =	sdelay $0x3  }
0x33: {  	p0 =	seq.s32 s10, $0x1;
	s10 =	sld [smem:$0x3FAF];
	_ =	sdelay $0x3  }
0x34: {  	[smem:$0x3FAF] =	sst s10  }
0x35: {  	s10 =	sld [smem:$0x3FAE];
	_ =	sdelay $0x3  }
0x36: {  	p1 =	seq.s32 s10, $0x1;
	s10 =	sld [smem:$0x3FAF];
	_ =	sdelay $0x3  }
0x37: {  	[smem:$0x3FAF] =	sst s10  }
0x38: {  	s10 =	sld [smem:$0x3FB0]  }
0x39: {  	_ = 	snop;
	(pc) =	sbr.ind lr, $3  }
0x3a: {  	_ = 	snop  }
0x3b: {  	_ = 	snop  }
0x3c: {  	p2 =	seq.s32 s10, $0x1;
	s10 =	sld [smem:$0x3FAF]  }
0x3d: {  	_ =	shalt  }
0x3e: {  	_ =	shalt  }
0x3f: {  	_ =	shalt  }
0x40: {  	_ =	shalt  }
0x41: {  	_ =	shalt  }
0x42: {  	_ =	shalt  }
0x43: {  	_ =	shalt  }
0x44: {  	_ =	shalt  }
0x45: {  	_ =	shalt  }
0x46: {  	_ =	shalt  }
0x47: {  	_ =	shalt  }
0x48: {  	_ =	shalt  }
0x49: {  	_ =	shalt  }
0x4a: {  	_ =	shalt  }
0x4b: {  	_ =	shalt  }
0x4c: {  	_ =	shalt  }
0x4d: {  	_ =	shalt  }
0x4e: {  	_ =	shalt  }
0x4f: {  	_ =	shalt  }
0x50: {  	_ =	shalt  }
0x51: {  	_ =	shalt  }
0x52: {  	_ =	shalt  }
0x53: {  	_ =	shalt  }
0x54: {  	_ =	shalt  }
0x55: {  	_ =	shalt  }
0x56: {  	_ =	shalt  }
0x57: {  	_ =	shalt  }
0x58: {  	_ =	shalt  }
0x59: {  	_ =	shalt  }
0x5a: {  	_ =	shalt  }
0x5b: {  	_ =	shalt  }
0x5c: {  	_ =	shalt  }
0x5d: {  	_ =	shalt  }
0x5e: {  	_ =	shalt  }
0x5f: {  	_ =	shalt  }
0x60: {  	_ =	shalt  }
0x61: {  	_ =	shalt  }
0x62: {  	_ =	shalt  }
0x63: {  	_ =	shalt  }
0x64: {  	_ =	shalt  }
0x65: {  	_ =	shalt  }
0x66: {  	_ =	shalt  }
0x67: {  	_ =	shalt  }
0x68: {  	_ =	shalt  }
0x69: {  	_ =	shalt  }
0x6a: {  	_ =	shalt  }
0x6b: {  	_ =	shalt  }
0x6c: {  	_ =	shalt  }
0x6d: {  	_ =	shalt  }
0x6e: {  	_ =	shalt  }
0x6f: {  	_ =	shalt  }
0x70: {  	_ =	shalt  }
0x71: {  	_ =	shalt  }
0x72: {  	_ =	shalt  }
0x73: {  	_ =	shalt  }
0x74: {  	_ =	shalt  }
0x75: {  	_ =	shalt  }
0x76: {  	_ =	shalt  }
0x77: {  	_ =	shalt  }
0x78: {  	_ =	shalt  }
0x79: {  	_ =	shalt  }
0x7a: {  	_ =	shalt  }
0x7b: {  	_ =	shalt  }
0x7c: {  	_ =	shalt  }
0x7d: {  	_ =	shalt  }
0x7e: {  	_ =	shalt  }
0x7f: {  	_ =	shalt  }
0x80: {  	_ =	shalt  }
0x81: {  	_ =	shalt  }
0x82: {  	_ =	shalt  }
0x83: {  	_ =	shalt  }
0x84: {  	_ =	shalt  }
0x85: {  	_ =	shalt  }
0x86: {  	_ =	shalt  }
0x87: {  	_ =	shalt  }
.Lfunc_end0:
.L_simem_size_0:
called_computation_lowered:
.L_overlay_start_0:
0x88: {  	s2 =	sld [smem:$0x3FD9]  }
0x89: {  	s3 =	sld [smem:$0x3FFE];
	_ =	sdelay $0x1  }
0x8a: {  	s1 =	srdreg.scid  }
0x8b: {  	s0 =	sand.u32 $0x1, s1  }
0x8c: {  	s17 =	sshll.u32 s0, $0xA;
	s2 =	sadd.s32 s3, s2  }
0x8d: {  	s2 =	sadd.s32 s2, s17  }
0x8e: {  	[smem:$0x3FBB] =	sst s2  }
0x8f: {  	_ = 	snop  }
0x90: {  	s2 =	sld [smem:$0x3FC7];
	(tm) =	ssettm $0x1  }
0x91: {  	s18 =	sld [smem:$0x3FFB];
	_ =	sdelay $0x3  }
0x92: {  	_ =	strace s18  }
0x93: {  	s3 =	sld [smem:$0x3FFC];
	_ =	sdelay $0x3  }
0x94: {  	_ =	strace s3  }
0x95: {  	s3 =	sld [smem:$0x3FFD];
	_ =	sdelay $0x3  }
0x96: {  	_ =	strace s3  }
0x97: {  	_ =	strace $0x8FFFFFFF  }
0x98: {  	s19 =	sld [smem:$0x3FDB];
	_ =	sdelay $0x1  }
0x99: {  	s4 =	simm.s32 $_scs_section_size  }
0x9a: {  	s5 =	simm.s32 $_size__tile_overlayer_lowered;
	s6 =	simm.s32 $_tile_overlayer_lowered  }
0x9b: {  	s22 =	simm.s32 $0x1BFF;
	s21 =	sshll.u32 s6, $0x1;
	s3 =	sadd.s32 s4, s19  }
0x9c: {  	s7 =	simm.s32 $0x0;
	s20 =	sshll.u32 s5, $0x1;
	s5 =	sadd.s32 s21, s3  }
0x9d: {  	[timem:s7], [sflag:s22] =	dma.local [hbm:s5], s20  }
0x9e: {  	_ =	swait.ge [sflag:s22], s20  }
0x9f: {  	s4 =	ssub.s32 $0x0, s20;
	[sflag:s22] =	ssyncset.done $0x0  }
0xa0: {  	[sflag:s22] =	ssyncadd.s32 s4;
	_ =	sdelay $0x1  }
0xa1: {  	s23 =	simm.s32 $0x1B8B  }
0xa2: {  	_ =	swait.ge [sflag:s23], $0x1  }
0xa3: {  	[sflag:s23] =	ssyncset.done $0x0  }
0xa4: {  	s25 =	simm.s32 $0x1B8E;
	s24 =	sld [smem:$0x3FFE];
	[sflag:s23] =	ssyncadd.s32 $0xFFFFFFFF  }
0xa5: {  	s26 =	simm.s32 $execute0_lowered;
	[smem:$0x3FD2] =	sst s25  }
0xa6: {  	s5 =	sshll.u32 s26, $0x1;
	_ =	strace $0x80000046;
	[dreg:$0x1] =	wrdreg $0xFFFFFFFF  }
0xa7: {  	s28 =	simm.s32 $_size_execute0_lowered;
	s3 =	sadd.s32 s3, s5;
	[dreg:$0x0] =	wrdreg $0x0  }
0xa8: {  	s5 =	sshll.u32 s28, $0x1;
	[dreg:$0x2] =	wrdreg s3  }
0xa9: {  	[dreg:$0x3] =	wrdreg s5  }
0xaa: {  	[dreg:$0x4] =	wrdreg $0xC0  }
0xab: {  	_ =	task [dreg:s7], $0x5FFFF  }
0xac: {  	[dreg:$0x1] =	wrdreg $0xFFFFFFFF  }
0xad: {  	[dreg:$0x0] =	wrdreg $0x60  }
0xae: {  	[dreg:$0x2] =	wrdreg s2  }
0xaf: {  	[dreg:$0x3] =	wrdreg s24  }
0xb0: {  	[dreg:$0x4] =	wrdreg $0x9  }
0xb1: {  	_ =	task.clear_ibuf [dreg:s7], $0x5FFFF;
	_ =	strace $0x90000046  }
0xb2: {  	s29 =	simm.s32 $0x9;
	_ =	strace $0x80000048  }
0xb3: {  	_ =	swait.ge [sflag:s29], $0x1  }
0xb4: {  	[sflag:s29] =	ssyncadd.s32 $0xFFFFFFFF  }
0xb5: {  	_ =	strace $0x90000048  }
0xb6: {  	_ =	sfence  }
0xb7: {  	s30 =	sld [smem:$0x0];
	_ =	sdelay $0x2  }
0xb8: {  	s31 =	sshll.u32 s1, $0xD;
	s1 =	sshrl.u32 s1, $0x2  }
0xb9: {  	s3 =	sand.u32 $0x4000, s31;
	s1 =	sadd.s32 s1, s30  }
0xba: {  	s0 =	sor.u32 s3, s0;
	s1 =	sshll.u32 s1, $0x11  }
0xbb: {  	s0 =	sor.u32 s1, s0  }
0xbc: {  	s0 =	sadd.s32 $0x8F2B, s0  }
0xbd: {  	[sflag:s0] =	ssyncadd.remote.s32 $0x1  }
0xbe: {  	_ =	sfence.sel $0xFFFF  }
0xbf: {  	[dreg:$0x0] =	wrdreg $0xFFFFFFFF;
	(pc) =	sbr.abs _section_cstart, $3  }
0xc0: {  	[dreg:$0x1] =	wrdreg $0xFFFFFFFF  }
0xc1: {  	_ =	task.clear_ibuf [dreg:s7], $0x2FFFF;
	_ =	strace $0x9FFFFFFF  }
0xc2: {  	(tm) =	ssettm $0x7FFFFFFF  }
0xc3: {  	_ =	shalt  }
tec
execute0_lowered:
.L_overlay_start_1:
0x0: {  	(tag) =	ssettag $0x1  }
0x1: {  	s1 =	rddreg [dreg:$0x0]  }
0x2: {  	s5 =	rddreg [dreg:$0x1]  }
0x3: {  	s0 =	rddreg [dreg:$0x2];
	s2 =	simm.s32 $0x0  }
0x4: {  	s3 =	srdreg.scid;
	s10 =	simm.s32 $0x18700;
	s11 =	simm.s32 $0x2  }
0x5: {  	s12 =	simm.s32 $0x1;
	s13 =	simm.s32 $0x3;
	s14 =	simm.s32 $0x0  }
0x6: {  	[smem:$0x7FF] =	sst s2;
	s6 =	sand.u32 $0x1, s3;
	s3 =	stileid.u32  }
0x7: {  	s4 =	sadd.s32 $0x1800, s5;
	s5 =	sadd.s32 $0x11800, s5;
	s7 =	ssub.s32 $0x2, s6  }
0x8: {  	_ =	strace $0x80000047;
	s9 =	sshll.u32 s3, $0x1;
	s8 =	sshrl.u32 s7, $0x1  }
0x9: {  	s6 =	sor.u32 s6, s9;
	s9 =	simm.s32 $0x400;
	s7 =	ssub.s32 s7, s8  }
0xa: {  	s6 =	smul.u32 $0xD, s6;
	s8 =	simm.s32 $0x80;
	s7 =	smax.u32 s7, $0x1  }
.LBB2_1:
0xb: {  	s15 =	simm.s32 $0x0  }
.LBB2_2:
0xc: {  	s16 =	sadd.s32 s6, s15  }
0xd: {  	s17 =	sshrl.u32 s16, $0x4;
	s18 =	sand.u32 $0x8, s16  }
0xe: {  	s19 =	smul.u32 $0x187000, s17;
	s18 =	sshrl.u32 s18, $0x3  }
0xf: {  	s18 =	smul.u32 $0xC3800, s18  }
0x10: {  	s20 =	sshll.u32 s16, $0x7  }
0x11: {  	s30 =	sand.u32 $0x380, s20;
	s18 =	sadd.s32 s19, s18  }
0x12: {  	s18 =	sor.u32 s30, s18  }
0x13: {  	s18 =	sshrl.u32 s18, $0x3  }
0x14: {  	p0 =	seq.s32 s15, $0x0;
	s18 =	sadd.s32 s1, s18  }
0x15: {  	[tilespmem:s2], [sflag:$0x1] =	stream.strided.gather [hbm4b:s18+s8], $0x18700, s9, s8, $0x38;
	[tilespmem:$0x1C700] =	vst v63  }
0x16: {  	s18 =	simm.s32 @!p0 $0x3  }
0x17: {  	s31 =	sand.u32 $0x70, s16;
	s17 =	sshll.u32 s17, $0xB;
	_ =	swait.ge @!p0 [sflag:s18], $0x4000  }
0x18: {  	s17 =	sand.u32 $0xFFFC000, s17;
	s19 =	sadd.s32 s4, s31;
	[sflag:s18] =	ssyncset.done @!p0 $0x0  }
0x19: {  	s17 =	sadd.s32 s17, s19;
	[sflag:s18] =	ssyncadd.s32 @!p0 $0xFFFFC000  }
0x1a: {  	[tilespmem:s10], [sflag:$0x2] =	stream.strided.gather [hbm4b:s17+s8], $0x4000, s9, s8, $0x38;
	[tilespmem:$0x1C700] =	vst v63  }
0x1b: {  	_ =	swait.ge [sflag:s11], $0x4000  }
0x1c: {  	[sflag:s11] =	ssyncset.done $0x0  }
0x1d: {  	[sflag:s11] =	ssyncadd.s32 $0xFFFFC000  }
0x1e: {  	_ =	swait.ge [sflag:s12], $0x18700  }
0x1f: {  	[sflag:s12] =	ssyncset.done $0x0  }
0x20: {  	s18 =	simm.s32 $0x187C0;
	[sflag:s12] =	ssyncadd.s32 $0xFFFE7900  }
0x21: {  	v0 =	vld [tilespmem:s18+$0xB0]  }
0x22: {  	v1 =	vld [tilespmem:s18+$0xFFFFFF50]  }
0x23: {  	v2 =	vld [tilespmem:s18+$0xFFFFFF60]  }
0x24: {  	v3 =	vld [tilespmem:s18+$0xFFFFFF70]  }
0x25: {  	v4 =	vld [tilespmem:s18+$0xFFFFFF80]  }
0x26: {  	v5 =	vld [tilespmem:s18+$0xFFFFFF90]  }
0x27: {  	v6 =	vld [tilespmem:s18+$0xFFFFFFA0]  }
0x28: {  	v7 =	vld [tilespmem:s18+$0xFFFFFFB0]  }
0x29: {  	v8 =	vld [tilespmem:s18+$0xFFFFFFC0]  }
0x2a: {  	v9 =	vld [tilespmem:s18+$0xFFFFFFD0]  }
0x2b: {  	v10 =	vld [tilespmem:s18+$0xFFFFFFE0]  }
0x2c: {  	v11 =	vld [tilespmem:s18+$0xFFFFFFF0]  }
0x2d: {  	v12 =	vld [tilespmem:s18+$0x0]  }
0x2e: {  	v13 =	vld [tilespmem:s18+$0x10]  }
0x2f: {  	v14 =	vld [tilespmem:s18+$0x20]  }
0x30: {  	v15 =	vld [tilespmem:s18+$0x30]  }
0x31: {  	v16 =	vld [tilespmem:s18+$0x40]  }
0x32: {  	v17 =	vld [tilespmem:s18+$0x50]  }
0x33: {  	v18 =	vld [tilespmem:s18+$0x60]  }
0x34: {  	v19 =	vld [tilespmem:s18+$0x70]  }
0x35: {  	v20 =	vld [tilespmem:s18+$0x80]  }
0x36: {  	v21 =	vld [tilespmem:s18+$0x90]  }
0x37: {  	v22 =	vld [tilespmem:s18+$0xA0]  }
0x38: {  	s17 =	simm.s32 $0x0;
	v23 =	vld [tilespmem:s18+$0xFFFFFF40]  }
0x39: {  	v0 =	vld.idx.msk [tilespmem:v0+s17+$0x0], $0xffff  }
0x3a: {  	v1 =	vld.idx.msk [tilespmem:v1+s17+$0x0], $0xffff  }
0x3b: {  	v2 =	vld.idx.msk [tilespmem:v2+s17+$0x0], $0xffff  }
0x3c: {  	v3 =	vld.idx.msk [tilespmem:v3+s17+$0x0], $0xffff  }
0x3d: {  	v4 =	vld.idx.msk [tilespmem:v4+s17+$0x0], $0xffff  }
0x3e: {  	v5 =	vld.idx.msk [tilespmem:v5+s17+$0x0], $0xffff  }
0x3f: {  	v63 =	vld.idx.msk [tilespmem:v16+s17+$0x0], $0xffff;
	[tilespmem:s18+$0xB0] =	vst v0  }
0x40: {  	v0 =	vld.idx.msk [tilespmem:v6+s17+$0x0], $0xffff;
	[tilespmem:s18+$0xFFFFFF50] =	vst v1  }
0x41: {  	v1 =	vld.idx.msk [tilespmem:v7+s17+$0x0], $0xffff;
	[tilespmem:s18+$0xFFFFFF60] =	vst v2  }
0x42: {  	v6 =	vld.idx.msk [tilespmem:v23+s17+$0x0], $0xffff;
	[tilespmem:s18+$0xFFFFFF70] =	vst v3  }
0x43: {  	v2 =	vld.idx.msk [tilespmem:v8+s17+$0x0], $0xffff;
	[tilespmem:s18+$0xFFFFFF80] =	vst v4  }
0x44: {  	v3 =	vld.idx.msk [tilespmem:v9+s17+$0x0], $0xffff;
	[tilespmem:s18+$0xFFFFFF90] =	vst v5  }
0x45: {  	v4 =	vld.idx.msk [tilespmem:v10+s17+$0x0], $0xffff;
	[tilespmem:s18+$0x40] =	vst v63  }
0x46: {  	v5 =	vld.idx.msk [tilespmem:v13+s17+$0x0], $0xffff;
	[tilespmem:s18+$0xFFFFFFA0] =	vst v0  }
0x47: {  	v0 =	vld.idx.msk [tilespmem:v11+s17+$0x0], $0xffff;
	[tilespmem:s18+$0xFFFFFFB0] =	vst v1  }
0x48: {  	v1 =	vld.idx.msk [tilespmem:v12+s17+$0x0], $0xffff;
	[tilespmem:s18+$0xFFFFFF40] =	vst v6  }
0x49: {  	v7 =	vld.idx.msk [tilespmem:v15+s17+$0x0], $0xffff;
	[tilespmem:s18+$0xFFFFFFC0] =	vst v2  }
0x4a: {  	v6 =	vld.idx.msk [tilespmem:v14+s17+$0x0], $0xffff;
	[tilespmem:s18+$0xFFFFFFD0] =	vst v3  }
0x4b: {  	[tilespmem:s18+$0xFFFFFFE0] =	vst v4;
	v2 =	vld.idx.msk [tilespmem:v19+s17+$0x0], $0xffff  }
0x4c: {  	[tilespmem:s18+$0xFFFFFFF0] =	vst v0;
	v0 =	vld.idx.msk [tilespmem:v17+s17+$0x0], $0xffff  }
0x4d: {  	[tilespmem:s18+$0x0] =	vst v1;
	v1 =	vld.idx.msk [tilespmem:v18+s17+$0x0], $0xffff  }
0x4e: {  	[tilespmem:s18+$0x10] =	vst v5;
	v3 =	vld.idx.msk [tilespmem:v20+s17+$0x0], $0xffff  }
0x4f: {  	[tilespmem:s18+$0x30] =	vst v7;
	v4 =	vld.idx.msk [tilespmem:v21+s17+$0x0], $0xffff  }
0x50: {  	s20 =	simm.s32 $0x18940;
	s19 =	simm.s32 $0x0;
	v5 =	vld.idx.msk [tilespmem:v22+s17+$0x0], $0xffff;
	[tilespmem:s18+$0x20] =	vst v6  }
.LBB2_3:
0x51: {  	v6 =	vld [tilespmem:s20+$0xB0];
	s19 =	sadd.s32 $0x18, s19;
	[tilespmem:s18+$0x50] =	vst v0  }
0x52: {  	v0 =	vld [tilespmem:s20+$0xFFFFFF50];
	p0 =	slt.u32 s19, $0x3D8;
	[tilespmem:s18+$0x60] =	vst v1  }
0x53: {  	v1 =	vld [tilespmem:s20+$0xFFFFFF60];
	[tilespmem:s18+$0x70] =	vst v2  }
0x54: {  	v2 =	vld [tilespmem:s20+$0xFFFFFF70];
	[tilespmem:s18+$0x80] =	vst v3  }
0x55: {  	v3 =	vld [tilespmem:s20+$0xFFFFFF80];
	[tilespmem:s18+$0x90] =	vst v4  }
0x56: {  	v4 =	vld [tilespmem:s20+$0xFFFFFF90];
	[tilespmem:s18+$0xA0] =	vst v5;
	s18 =	smov.u32 s20  }
0x57: {  	v5 =	vld [tilespmem:s20+$0xFFFFFFA0]  }
0x58: {  	v7 =	vld [tilespmem:s20+$0xFFFFFFB0]  }
0x59: {  	v6 =	vld.idx.msk [tilespmem:v6+s17+$0x0], $0xffff  }
0x5a: {  	v8 =	vld [tilespmem:s20+$0xFFFFFFC0]  }
0x5b: {  	v9 =	vld [tilespmem:s20+$0xFFFFFFD0]  }
0x5c: {  	v10 =	vld [tilespmem:s20+$0xFFFFFFE0]  }
0x5d: {  	v11 =	vld [tilespmem:s20+$0xFFFFFFF0]  }
0x5e: {  	v12 =	vld [tilespmem:s20+$0x0]  }
0x5f: {  	v13 =	vld [tilespmem:s20+$0x10];
	[tilespmem:s20+$0xB0] =	vst v6  }
0x60: {  	v6 =	vld [tilespmem:s20+$0x20]  }
0x61: {  	v14 =	vld [tilespmem:s20+$0x30]  }
0x62: {  	v15 =	vld [tilespmem:s20+$0x40]  }
0x63: {  	v16 =	vld [tilespmem:s20+$0x50]  }
0x64: {  	v17 =	vld [tilespmem:s20+$0x60]  }
0x65: {  	v18 =	vld [tilespmem:s20+$0x70]  }
0x66: {  	v19 =	vld [tilespmem:s20+$0x80]  }
0x67: {  	v20 =	vld [tilespmem:s20+$0x90]  }
0x68: {  	v21 =	vld [tilespmem:s20+$0xA0]  }
0x69: {  	v22 =	vld [tilespmem:s20+$0xFFFFFF40]  }
0x6a: {  	v0 =	vld.idx.msk [tilespmem:v0+s17+$0x0], $0xffff  }
0x6b: {  	v1 =	vld.idx.msk [tilespmem:v1+s17+$0x0], $0xffff  }
0x6c: {  	v2 =	vld.idx.msk [tilespmem:v2+s17+$0x0], $0xffff  }
0x6d: {  	v3 =	vld.idx.msk [tilespmem:v3+s17+$0x0], $0xffff  }
0x6e: {  	v4 =	vld.idx.msk [tilespmem:v4+s17+$0x0], $0xffff  }
0x6f: {  	v5 =	vld.idx.msk [tilespmem:v5+s17+$0x0], $0xffff  }
0x70: {  	[tilespmem:s20+$0xFFFFFF50] =	vst v0;
	v0 =	vld.idx.msk [tilespmem:v7+s17+$0x0], $0xffff  }
0x71: {  	v7 =	vld.idx.msk [tilespmem:v22+s17+$0x0], $0xffff;
	[tilespmem:s20+$0xFFFFFF60] =	vst v1  }
0x72: {  	[tilespmem:s20+$0xFFFFFF70] =	vst v2;
	v1 =	vld.idx.msk [tilespmem:v8+s17+$0x0], $0xffff  }
0x73: {  	[tilespmem:s20+$0xFFFFFF80] =	vst v3;
	v2 =	vld.idx.msk [tilespmem:v9+s17+$0x0], $0xffff  }
0x74: {  	[tilespmem:s20+$0xFFFFFF90] =	vst v4;
	v3 =	vld.idx.msk [tilespmem:v10+s17+$0x0], $0xffff  }
0x75: {  	[tilespmem:s20+$0xFFFFFFA0] =	vst v5;
	v4 =	vld.idx.msk [tilespmem:v11+s17+$0x0], $0xffff  }
0x76: {  	[tilespmem:s20+$0xFFFFFFB0] =	vst v0;
	v5 =	vld.idx.msk [tilespmem:v12+s17+$0x0], $0xffff  }
0x77: {  	[tilespmem:s20+$0xFFFFFF40] =	vst v7;
	v7 =	vld.idx.msk [tilespmem:v13+s17+$0x0], $0xffff  }
0x78: {  	[tilespmem:s20+$0xFFFFFFC0] =	vst v1;
	v6 =	vld.idx.msk [tilespmem:v6+s17+$0x0], $0xffff  }
0x79: {  	[tilespmem:s20+$0xFFFFFFD0] =	vst v2;
	v8 =	vld.idx.msk [tilespmem:v14+s17+$0x0], $0xffff  }
0x7a: {  	[tilespmem:s20+$0xFFFFFFE0] =	vst v3;
	v9 =	vld.idx.msk [tilespmem:v15+s17+$0x0], $0xffff  }
0x7b: {  	[tilespmem:s20+$0xFFFFFFF0] =	vst v4;
	v0 =	vld.idx.msk [tilespmem:v16+s17+$0x0], $0xffff  }
.Ltmp0:
0x7c: {  	[tilespmem:s20+$0x0] =	vst v5;
	v1 =	vld.idx.msk [tilespmem:v17+s17+$0x0], $0xffff;
	(pc) =	sbr.rel @p0 .LBB2_3-.Ltmp0, $4  }
0x7d: {  	[tilespmem:s20+$0x10] =	vst v7;
	v2 =	vld.idx.msk [tilespmem:v18+s17+$0x0], $0xffff  }
0x7e: {  	[tilespmem:s20+$0x20] =	vst v6;
	v3 =	vld.idx.msk [tilespmem:v19+s17+$0x0], $0xffff  }
0x7f: {  	[tilespmem:s20+$0x30] =	vst v8;
	v4 =	vld.idx.msk [tilespmem:v20+s17+$0x0], $0xffff  }
0x80: {  	s20 =	sadd.s32 $0x180, s20;
	[tilespmem:s18+$0x40] =	vst v9;
	v5 =	vld.idx.msk [tilespmem:v21+s17+$0x0], $0xffff  }
0x81: {  	[tilespmem:s18+$0x50] =	vst v0  }
0x82: {  	[tilespmem:s18+$0x60] =	vst v1  }
0x83: {  	[tilespmem:s18+$0x70] =	vst v2  }
0x84: {  	[tilespmem:s18+$0x80] =	vst v3  }
0x85: {  	[tilespmem:s18+$0x90] =	vst v4  }
0x86: {  	[tilespmem:s18+$0xA0] =	vst v5  }
.LBB2_5:
0x87: {  	s18 =	sshra.s32 s17, $0x2  }
0x88: {  	v0 =	vld [tilespmem:s18+$0x1C600];
	_ =	sdelay $0x7  }
0x89: {  	p0 =	sne.s32 s17, $0x3C0;
	v0 =	vld.idx.msk [tilespmem:v0+s2+$0x0], $0xffff  }
.Ltmp1:
0x8a: {  	_ = 	snop;
	(pc) =	sbr.rel @p0 .LBB2_5-.Ltmp1, $2  }
0x8b: {  	_ =	sdelay $0x2  }
0x8c: {  	s17 =	sadd.s32 $0x40, s17;
	[tilespmem:s18+$0x1C600] =	vst v0  }
0x8d: {  	s15 =	sadd.s32 $0x1, s15  }
0x8e: {  	p0 =	sne.s32 s15, $0xD  }
.Ltmp2:
0x8f: {  	s17 =	sshll.u32 s16, $0x4;
	(pc) =	sbr.rel @p0 .LBB2_2-.Ltmp2, $4  }
0x90: {  	s31 =	sshll.u32 s16, $0xB;
	s17 =	sand.u32 $0x70, s17  }
0x91: {  	s16 =	sand.u32 $0xFFFC000, s31;
	s17 =	sadd.s32 s5, s17  }
0x92: {  	s16 =	sadd.s32 s16, s17  }
0x93: {  	[hbm4b:s16+s8] =	stream.strided.scatter [tilespmem:s10], [sflag:$0x3], $0x4000, s9, s8, $0x38;
	[tilespmem:$0x1C700] =	vst v63  }
0x94: {  	s14 =	sadd.s32 $0x1, s14  }
0x95: {  	p0 =	sne.s32 s14, s7  }
.Ltmp3:
0x96: {  	_ = 	snop;
	(pc) =	sbr.rel @p0 .LBB2_1-.Ltmp3, $4  }
0x97: {  	_ = 	snop  }
0x98: {  	_ =	swait.ge [sflag:s13], $0x4000  }
0x99: {  	[sflag:s13] =	ssyncset.done $0x0  }
0x9a: {  	[sflag:s13] =	ssyncadd.s32 $0xFFFFC000  }
0x9b: {  	_ =	sfence.sel $0x180000  }
0x9c: {  	[bflag:$0x0] =	sbarrier.arrive $0xFFFF  }
0x9d: {  	p0 =	sne.s32 s3, $0x0;
	_ =	strace $0x90000047  }
0x9e: {  	s0 =	sadd.s32 @!p0 $0x100000, s0;
	[bflag:$0x2] =	sbarrier.arrive $0xFFFF  }
0x9f: {  	[sflag:s0] =	ssyncadd.tile.s32 @!p0 $0x1;
	_ =	shalt  }
.Lfunc_end2:
_tile_overlayer_lowered:
.L_overlay_start_2:
0xa0: {  	(tag) =	ssettag $0x2  }
0xa1: {  	s0 =	rddreg [dreg:$0x0];
	s2 =	stileid.u32  }
0xa2: {  	s1 =	rddreg [dreg:$0x1];
	p0 =	sne.s32 s2, $0x0  }
0xa3: {  	s3 =	rddreg [dreg:$0x2];
	[bflag:$0x3] =	sbarrier.arrive $0xFFFF;
	s2 =	simm.s32 @!p0 $0x1C04  }
0xa4: {  	[timem:s3], [sflag:s2] =	dma.local @!p0 [hbm:s0], s1  }
0xa5: {  	s0 =	simm.s32 @!p0 $0x4  }
0xa6: {  	_ =	swait.ge @!p0 [sflag:s0], s1  }
0xa7: {  	s1 =	ssub.s32 @!p0 $0x0, s1;
	[sflag:s0] =	ssyncset.done @!p0 $0x0  }
0xa8: {  	[sflag:s0] =	ssyncadd.s32 @!p0 s1  }
0xa9: {  	[bflag:$0x3] =	sbarrier.arrive $0xFFFF  }
0xaa: {  	_ =	shalt  }

</sc_bundles>
